<compile_context>
chip_gen: v7x
topology: tpu7x:2x2x1
jax: 0.10.2.dev20260603
libtpu: 0.0.44.dev20260713+nightly
codegen_flags: <defaults>
</compile_context>

<pallas_src>
import jax
import jax.numpy as jnp
from jax import lax
from jax.experimental import pallas as pl
from jax.experimental.pallas import tpu as pltpu
from jax.experimental.pallas import tpu_sc as plsc

_B = 50000
_D = 128
_NC = 2
_NS = 16
_NW = _NC * _NS
_CHUNK = 224
_NCHUNKS = 7
_NBUF = 4
_B_PER_W = _CHUNK * _NCHUNKS
_LAST_BASE = _B - _B_PER_W
_ROWS_PER_TILE = _D // _NS


def _gather_body(emb_hbm, z_hbm, out_hbm,
                 idx_v, rows0, rows1, rows2, rows3, table_sh,
                 gsem0, gsem1, gsem2, gsem3, ssem0, ssem1, ssem2, ssem3):
    sid = lax.axis_index("s")
    wid = sid * _NC + lax.axis_index("c")
    base = jnp.minimum(wid * _B_PER_W, _LAST_BASE)

    stage = sid * _ROWS_PER_TILE
    pltpu.sync_copy(emb_hbm.at[pl.ds(stage, _ROWS_PER_TILE)],
                    table_sh.at[pl.ds(stage, _ROWS_PER_TILE)])
    pltpu.sync_copy(z_hbm.at[pl.ds(base, _B_PER_W)], idx_v)
    plsc.subcore_barrier()

    bufs = (rows0, rows1, rows2, rows3)
    gsems = (gsem0, gsem1, gsem2, gsem3)
    ssems = (ssem0, ssem1, ssem2, ssem3)

    def start_gather(k):
        return pltpu.async_copy(
            table_sh.at[idx_v.at[pl.ds(k * _CHUNK, _CHUNK)]],
            bufs[k % _NBUF], gsems[k % _NBUF])

    def start_store(k):
        return pltpu.async_copy(
            bufs[k % _NBUF], out_hbm.at[pl.ds(base + k * _CHUNK, _CHUNK)],
            ssems[k % _NBUF])

    gathers = [None] * _NCHUNKS
    stores = [None] * _NCHUNKS
    for k in range(_NBUF - 1):
        gathers[k] = start_gather(k)
    for k in range(_NCHUNKS):
        gathers[k].wait()
        stores[k] = start_store(k)
        nxt = k + _NBUF - 1
        if nxt < _NCHUNKS:
            if nxt - _NBUF >= 0:
                stores[nxt - _NBUF].wait()
            gathers[nxt] = start_gather(nxt)
    for k in range(max(0, _NCHUNKS - _NBUF), _NCHUNKS):
        stores[k].wait()


@jax.jit
def _embed(emb_weight, z):
    mesh = plsc.VectorSubcoreMesh(
        core_axis_name="c", subcore_axis_name="s",
        num_cores=_NC, num_subcores=_NS,
    )
    return pl.kernel(
        _gather_body,
        out_type=jax.ShapeDtypeStruct((_B, _D), jnp.float32),
        mesh=mesh,
        scratch_types=[
            pltpu.VMEM((_B_PER_W,), jnp.int32),
            pltpu.VMEM((_CHUNK, _D), jnp.float32),
            pltpu.VMEM((_CHUNK, _D), jnp.float32),
            pltpu.VMEM((_CHUNK, _D), jnp.float32),
            pltpu.VMEM((_CHUNK, _D), jnp.float32),
            pltpu.VMEM_SHARED((_D, _D), jnp.float32),
            pltpu.SemaphoreType.DMA,
            pltpu.SemaphoreType.DMA,
            pltpu.SemaphoreType.DMA,
            pltpu.SemaphoreType.DMA,
            pltpu.SemaphoreType.DMA,
            pltpu.SemaphoreType.DMA,
            pltpu.SemaphoreType.DMA,
            pltpu.SemaphoreType.DMA,
        ],
    )(emb_weight, z)


def kernel(z, edge_index, edge_weight, edge_vec, edge_attr, emb_weight):
    return _embed(emb_weight, z)

# --- scband reference (transcript-rebuilt; emitter-appended) ---
"""Pipeline reference for scband-tensor-embedding-72267119722700 (READ-ONLY COPY).

The authoritative reference and input builder live on the scoring server;
editing this copy changes nothing except your own understanding.
"""

import jax, jax.numpy as jnp
import numpy as np

N_NODES = 50000
N_EDGES = 800000
MAX_Z = 128
HIDDEN = 128
NUM_RBF = 64


def setup_inputs(seed: int = 0) -> dict:
    key = jax.random.key(seed)
    ks = jax.random.split(key, 6)
    z = jax.random.randint(ks[0], (N_NODES,), 0, MAX_Z, dtype=jnp.int64 if jax.config.jax_enable_x64 else jnp.int32)
    edge_index = jax.random.randint(ks[1], (2, N_EDGES), 0, N_NODES, dtype=jnp.int64 if jax.config.jax_enable_x64 else jnp.int32)
    edge_weight = jax.random.uniform(ks[2], (N_EDGES,), dtype=jnp.float32)
    edge_vec = jax.random.normal(ks[3], (N_EDGES, 3), dtype=jnp.float32)
    edge_attr = jax.random.normal(ks[4], (N_EDGES, NUM_RBF), dtype=jnp.float32)
    # Learned parameter: embedding table, sized per init_kwargs (max_z x hidden_channels),
    # initialized like nn.Embedding.reset_parameters (standard normal).
    emb_weight = jax.random.normal(ks[5], (MAX_Z, HIDDEN), dtype=jnp.float32)
    return {
        "z": z,
        "edge_index": edge_index,
        "edge_weight": edge_weight,
        "edge_vec": edge_vec,
        "edge_attr": edge_attr,
        "emb_weight": emb_weight,
    }


def reference(z, edge_index, edge_weight, edge_vec, edge_attr, emb_weight):
    # Faithful translation of TensorEmbedding.forward: x = self.emb(z); return x
    # Embedding lookup -> row gather from the table (SparseCore-friendly gather).
    x = jnp.take(emb_weight, z, axis=0)
    return x

if __name__ == "__main__":
    import jax
    _d = setup_inputs()
    print(jax.jit(kernel)(*tuple(_d.values())))

</pallas_src>

<mosaic_0001>
#map = affine_map<(d0, d1) -> (0, 0)>
#map1 = affine_map<(d0, d1) -> (0)>
module attributes {stable_mosaic.version = 14 : i64} {
  func.func @_gather_body(%arg0: i32, %arg1: i32, %arg2: memref<128x128xf32, #tpu.memory_space<hbm>>, %arg3: memref<50000xi32, #tpu.memory_space<hbm>>, %arg4: memref<50000x128xf32, #tpu.memory_space<hbm>>, %arg5: memref<1568xi32, #tpu.memory_space<vmem>>, %arg6: memref<224x128xf32, #tpu.memory_space<vmem>>, %arg7: memref<224x128xf32, #tpu.memory_space<vmem>>, %arg8: memref<224x128xf32, #tpu.memory_space<vmem>>, %arg9: memref<224x128xf32, #tpu.memory_space<vmem>>, %arg10: memref<128x128xf32, #tpu.memory_space<vmem_shared>>, %arg11: memref<!tpu.dma_semaphore, #tpu.memory_space<semaphore_mem>>, %arg12: memref<!tpu.dma_semaphore, #tpu.memory_space<semaphore_mem>>, %arg13: memref<!tpu.dma_semaphore, #tpu.memory_space<semaphore_mem>>, %arg14: memref<!tpu.dma_semaphore, #tpu.memory_space<semaphore_mem>>, %arg15: memref<!tpu.dma_semaphore, #tpu.memory_space<semaphore_mem>>, %arg16: memref<!tpu.dma_semaphore, #tpu.memory_space<semaphore_mem>>, %arg17: memref<!tpu.dma_semaphore, #tpu.memory_space<semaphore_mem>>, %arg18: memref<!tpu.dma_semaphore, #tpu.memory_space<semaphore_mem>>) attributes {dimension_semantics = [#tpu.dimension_semantics<core_parallel>, #tpu.dimension_semantics<subcore_parallel>], iteration_bounds = array<i64: 2, 16>, scalar_prefetch = 0 : i64, scratch_operands = 14 : i64, tpu.core_type = #tpu.core_type<sc_vector_subcore>, window_params = [{transform_indices = #map}, {transform_indices = #map1}, {transform_indices = #map}]} {
    %mul3A = arith.constant 2 : i32
    %mul3A_0 = arith.muli %arg1, %mul3A : i32
    %add3A = arith.addi %mul3A_0, %arg0 : i32
    %mul3A_1 = arith.constant 1568 : i32
    %mul3A_2 = arith.muli %add3A, %mul3A_1 : i32
    %min3A = arith.constant 48432 : i32
    %min3A_3 = arith.minsi %mul3A_2, %min3A : i32
    %mul3A_4 = arith.constant 8 : i32
    %mul3A_5 = arith.muli %arg1, %mul3A_4 : i32
    "tpu.region"() ({
      %run_scoped3A = tpu.sem_alloc : memref<!tpu.dma_semaphore, #tpu.memory_space<semaphore_mem>>
      %dma_start3A_144 = arith.constant 0 : i32
      %dma_start3A_145 = tpu.memref_slice %arg10[%mul3A_5, %dma_start3A_144] : memref<128x128xf32, #tpu.memory_space<vmem_shared>> -> memref<8x128xf32, #tpu.memory_space<vmem_shared>>
      %dma_start3A_146 = arith.constant 0 : i32
      %dma_start3A_147 = tpu.memref_slice %arg2[%mul3A_5, %dma_start3A_146] : memref<128x128xf32, #tpu.memory_space<hbm>> -> memref<8x128xf32, #tpu.memory_space<hbm>>
      tpu.enqueue_dma source(%dma_start3A_147 : memref<8x128xf32, #tpu.memory_space<hbm>>) target(%dma_start3A_145 : memref<8x128xf32, #tpu.memory_space<vmem_shared>>) target_semaphore(%run_scoped3A : memref<!tpu.dma_semaphore, #tpu.memory_space<semaphore_mem>>)
      %dma_wait3A_148 = arith.constant 0 : i32
      %dma_wait3A_149 = tpu.memref_slice %arg10[%mul3A_5, %dma_wait3A_148] : memref<128x128xf32, #tpu.memory_space<vmem_shared>> -> memref<8x128xf32, #tpu.memory_space<vmem_shared>>
      %dma_wait3A_150 = arith.constant 0 : i32
      %dma_wait3A_151 = tpu.memref_slice %arg2[%mul3A_5, %dma_wait3A_150] : memref<128x128xf32, #tpu.memory_space<hbm>> -> memref<8x128xf32, #tpu.memory_space<hbm>>
      tpu.wait_dma2 semaphore(%run_scoped3A : memref<!tpu.dma_semaphore, #tpu.memory_space<semaphore_mem>>) src(%dma_wait3A_151 : memref<8x128xf32, #tpu.memory_space<hbm>>) dst(%dma_wait3A_149 : memref<8x128xf32, #tpu.memory_space<vmem_shared>>)
      tpu.yield
    }) : () -> ()
    "tpu.region"() ({
      %run_scoped3A = tpu.sem_alloc : memref<!tpu.dma_semaphore, #tpu.memory_space<semaphore_mem>>
      %dma_start3A_144 = tpu.memref_slice %arg3[%min3A_3] : memref<50000xi32, #tpu.memory_space<hbm>> -> memref<1568xi32, #tpu.memory_space<hbm>>
      %dma_start3A_145 = tpu.memref_slice %arg3[%min3A_3] : memref<50000xi32, #tpu.memory_space<hbm>> -> memref<1568xi32, #tpu.memory_space<hbm>>
      tpu.enqueue_dma source(%dma_start3A_145 : memref<1568xi32, #tpu.memory_space<hbm>>) target(%arg5 : memref<1568xi32, #tpu.memory_space<vmem>>) target_semaphore(%run_scoped3A : memref<!tpu.dma_semaphore, #tpu.memory_space<semaphore_mem>>)
      %dma_wait3A_146 = tpu.memref_slice %arg3[%min3A_3] : memref<50000xi32, #tpu.memory_space<hbm>> -> memref<1568xi32, #tpu.memory_space<hbm>>
      %dma_wait3A_147 = tpu.memref_slice %arg3[%min3A_3] : memref<50000xi32, #tpu.memory_space<hbm>> -> memref<1568xi32, #tpu.memory_space<hbm>>
      tpu.wait_dma2 semaphore(%run_scoped3A : memref<!tpu.dma_semaphore, #tpu.memory_space<semaphore_mem>>) src(%dma_wait3A_147 : memref<1568xi32, #tpu.memory_space<hbm>>) dst(%arg5 : memref<1568xi32, #tpu.memory_space<vmem>>)
      tpu.yield
    }) : () -> ()
    %barrier3A = arith.constant 0 : index
    tpu.barrier barrier_id(%barrier3A)
    %dma_start3A = arith.constant 0 : i32
    %dma_start3A_6 = tpu.memref_slice %arg5[%dma_start3A] : memref<1568xi32, #tpu.memory_space<vmem>> -> memref<224xi32, #tpu.memory_space<vmem>>
    %dma_start3A_7 = arith.constant 0 : i32
    %dma_start3A_8 = arith.constant 0 : i32
    %dma_start3A_9 = tpu.memref_slice %arg10[%dma_start3A_7, %dma_start3A_8] : memref<128x128xf32, #tpu.memory_space<vmem_shared>> -> memref<128x128xf32, #tpu.memory_space<vmem_shared>>
    tpu.enqueue_indirect_dma source(%dma_start3A_9 : memref<128x128xf32, #tpu.memory_space<vmem_shared>>) target(%arg6 : memref<224x128xf32, #tpu.memory_space<vmem>>) offsets(%dma_start3A_6 : memref<224xi32, #tpu.memory_space<vmem>>) semaphore(%arg11 : memref<!tpu.dma_semaphore, #tpu.memory_space<semaphore_mem>>)
    %dma_start3A_10 = arith.constant 224 : i32
    %dma_start3A_11 = tpu.memref_slice %arg5[%dma_start3A_10] : memref<1568xi32, #tpu.memory_space<vmem>> -> memref<224xi32, #tpu.memory_space<vmem>>
    %dma_start3A_12 = arith.constant 0 : i32
    %dma_start3A_13 = arith.constant 0 : i32
    %dma_start3A_14 = tpu.memref_slice %arg10[%dma_start3A_12, %dma_start3A_13] : memref<128x128xf32, #tpu.memory_space<vmem_shared>> -> memref<128x128xf32, #tpu.memory_space<vmem_shared>>
    tpu.enqueue_indirect_dma source(%dma_start3A_14 : memref<128x128xf32, #tpu.memory_space<vmem_shared>>) target(%arg7 : memref<224x128xf32, #tpu.memory_space<vmem>>) offsets(%dma_start3A_11 : memref<224xi32, #tpu.memory_space<vmem>>) semaphore(%arg12 : memref<!tpu.dma_semaphore, #tpu.memory_space<semaphore_mem>>)
    %dma_start3A_15 = arith.constant 448 : i32
    %dma_start3A_16 = tpu.memref_slice %arg5[%dma_start3A_15] : memref<1568xi32, #tpu.memory_space<vmem>> -> memref<224xi32, #tpu.memory_space<vmem>>
    %dma_start3A_17 = arith.constant 0 : i32
    %dma_start3A_18 = arith.constant 0 : i32
    %dma_start3A_19 = tpu.memref_slice %arg10[%dma_start3A_17, %dma_start3A_18] : memref<128x128xf32, #tpu.memory_space<vmem_shared>> -> memref<128x128xf32, #tpu.memory_space<vmem_shared>>
    tpu.enqueue_indirect_dma source(%dma_start3A_19 : memref<128x128xf32, #tpu.memory_space<vmem_shared>>) target(%arg8 : memref<224x128xf32, #tpu.memory_space<vmem>>) offsets(%dma_start3A_16 : memref<224xi32, #tpu.memory_space<vmem>>) semaphore(%arg13 : memref<!tpu.dma_semaphore, #tpu.memory_space<semaphore_mem>>)
    %dma_wait3A = arith.constant 0 : i32
    %dma_wait3A_20 = tpu.memref_slice %arg5[%dma_wait3A] : memref<1568xi32, #tpu.memory_space<vmem>> -> memref<224xi32, #tpu.memory_space<vmem>>
    %dma_wait3A_21 = arith.constant 0 : i32
    %dma_wait3A_22 = arith.constant 0 : i32
    %dma_wait3A_23 = tpu.memref_slice %arg10[%dma_wait3A_21, %dma_wait3A_22] : memref<128x128xf32, #tpu.memory_space<vmem_shared>> -> memref<128x128xf32, #tpu.memory_space<vmem_shared>>
    tpu.wait_indirect_dma semaphore(%arg11 : memref<!tpu.dma_semaphore, #tpu.memory_space<semaphore_mem>>) src(%dma_wait3A_23 : memref<128x128xf32, #tpu.memory_space<vmem_shared>>) dst(%arg6 : memref<224x128xf32, #tpu.memory_space<vmem>>)
    %add3A_24 = arith.constant 0 : i32
    %add3A_25 = arith.addi %min3A_3, %add3A_24 : i32
    %dma_start3A_26 = arith.constant 0 : i32
    %dma_start3A_27 = tpu.memref_slice %arg4[%add3A_25, %dma_start3A_26] : memref<50000x128xf32, #tpu.memory_space<hbm>> -> memref<224x128xf32, #tpu.memory_space<hbm>>
    %dma_start3A_28 = arith.constant 0 : i32
    %dma_start3A_29 = tpu.memref_slice %arg4[%add3A_25, %dma_start3A_28] : memref<50000x128xf32, #tpu.memory_space<hbm>> -> memref<224x128xf32, #tpu.memory_space<hbm>>
    tpu.enqueue_dma source(%arg6 : memref<224x128xf32, #tpu.memory_space<vmem>>) target(%dma_start3A_29 : memref<224x128xf32, #tpu.memory_space<hbm>>) target_semaphore(%arg15 : memref<!tpu.dma_semaphore, #tpu.memory_space<semaphore_mem>>)
    %dma_start3A_30 = arith.constant 672 : i32
    %dma_start3A_31 = tpu.memref_slice %arg5[%dma_start3A_30] : memref<1568xi32, #tpu.memory_space<vmem>> -> memref<224xi32, #tpu.memory_space<vmem>>
    %dma_start3A_32 = arith.constant 0 : i32
    %dma_start3A_33 = arith.constant 0 : i32
    %dma_start3A_34 = tpu.memref_slice %arg10[%dma_start3A_32, %dma_start3A_33] : memref<128x128xf32, #tpu.memory_space<vmem_shared>> -> memref<128x128xf32, #tpu.memory_space<vmem_shared>>
    tpu.enqueue_indirect_dma source(%dma_start3A_34 : memref<128x128xf32, #tpu.memory_space<vmem_shared>>) target(%arg9 : memref<224x128xf32, #tpu.memory_space<vmem>>) offsets(%dma_start3A_31 : memref<224xi32, #tpu.memory_space<vmem>>) semaphore(%arg14 : memref<!tpu.dma_semaphore, #tpu.memory_space<semaphore_mem>>)
    %dma_wait3A_35 = arith.constant 224 : i32
    %dma_wait3A_36 = tpu.memref_slice %arg5[%dma_wait3A_35] : memref<1568xi32, #tpu.memory_space<vmem>> -> memref<224xi32, #tpu.memory_space<vmem>>
    %dma_wait3A_37 = arith.constant 0 : i32
    %dma_wait3A_38 = arith.constant 0 : i32
    %dma_wait3A_39 = tpu.memref_slice %arg10[%dma_wait3A_37, %dma_wait3A_38] : memref<128x128xf32, #tpu.memory_space<vmem_shared>> -> memref<128x128xf32, #tpu.memory_space<vmem_shared>>
    tpu.wait_indirect_dma semaphore(%arg12 : memref<!tpu.dma_semaphore, #tpu.memory_space<semaphore_mem>>) src(%dma_wait3A_39 : memref<128x128xf32, #tpu.memory_space<vmem_shared>>) dst(%arg7 : memref<224x128xf32, #tpu.memory_space<vmem>>)
    %add3A_40 = arith.constant 224 : i32
    %add3A_41 = arith.addi %min3A_3, %add3A_40 : i32
    %dma_start3A_42 = arith.constant 0 : i32
    %dma_start3A_43 = tpu.memref_slice %arg4[%add3A_41, %dma_start3A_42] : memref<50000x128xf32, #tpu.memory_space<hbm>> -> memref<224x128xf32, #tpu.memory_space<hbm>>
    %dma_start3A_44 = arith.constant 0 : i32
    %dma_start3A_45 = tpu.memref_slice %arg4[%add3A_41, %dma_start3A_44] : memref<50000x128xf32, #tpu.memory_space<hbm>> -> memref<224x128xf32, #tpu.memory_space<hbm>>
    tpu.enqueue_dma source(%arg7 : memref<224x128xf32, #tpu.memory_space<vmem>>) target(%dma_start3A_45 : memref<224x128xf32, #tpu.memory_space<hbm>>) target_semaphore(%arg16 : memref<!tpu.dma_semaphore, #tpu.memory_space<semaphore_mem>>)
    %dma_wait3A_46 = arith.constant 0 : i32
    %dma_wait3A_47 = tpu.memref_slice %arg4[%add3A_25, %dma_wait3A_46] : memref<50000x128xf32, #tpu.memory_space<hbm>> -> memref<224x128xf32, #tpu.memory_space<hbm>>
    %dma_wait3A_48 = arith.constant 0 : i32
    %dma_wait3A_49 = tpu.memref_slice %arg4[%add3A_25, %dma_wait3A_48] : memref<50000x128xf32, #tpu.memory_space<hbm>> -> memref<224x128xf32, #tpu.memory_space<hbm>>
    tpu.wait_dma2 semaphore(%arg15 : memref<!tpu.dma_semaphore, #tpu.memory_space<semaphore_mem>>) src(%arg6 : memref<224x128xf32, #tpu.memory_space<vmem>>) dst(%dma_wait3A_49 : memref<224x128xf32, #tpu.memory_space<hbm>>)
    %dma_start3A_50 = arith.constant 896 : i32
    %dma_start3A_51 = tpu.memref_slice %arg5[%dma_start3A_50] : memref<1568xi32, #tpu.memory_space<vmem>> -> memref<224xi32, #tpu.memory_space<vmem>>
    %dma_start3A_52 = arith.constant 0 : i32
    %dma_start3A_53 = arith.constant 0 : i32
    %dma_start3A_54 = tpu.memref_slice %arg10[%dma_start3A_52, %dma_start3A_53] : memref<128x128xf32, #tpu.memory_space<vmem_shared>> -> memref<128x128xf32, #tpu.memory_space<vmem_shared>>
    tpu.enqueue_indirect_dma source(%dma_start3A_54 : memref<128x128xf32, #tpu.memory_space<vmem_shared>>) target(%arg6 : memref<224x128xf32, #tpu.memory_space<vmem>>) offsets(%dma_start3A_51 : memref<224xi32, #tpu.memory_space<vmem>>) semaphore(%arg11 : memref<!tpu.dma_semaphore, #tpu.memory_space<semaphore_mem>>)
    %dma_wait3A_55 = arith.constant 448 : i32
    %dma_wait3A_56 = tpu.memref_slice %arg5[%dma_wait3A_55] : memref<1568xi32, #tpu.memory_space<vmem>> -> memref<224xi32, #tpu.memory_space<vmem>>
    %dma_wait3A_57 = arith.constant 0 : i32
    %dma_wait3A_58 = arith.constant 0 : i32
    %dma_wait3A_59 = tpu.memref_slice %arg10[%dma_wait3A_57, %dma_wait3A_58] : memref<128x128xf32, #tpu.memory_space<vmem_shared>> -> memref<128x128xf32, #tpu.memory_space<vmem_shared>>
    tpu.wait_indirect_dma semaphore(%arg13 : memref<!tpu.dma_semaphore, #tpu.memory_space<semaphore_mem>>) src(%dma_wait3A_59 : memref<128x128xf32, #tpu.memory_space<vmem_shared>>) dst(%arg8 : memref<224x128xf32, #tpu.memory_space<vmem>>)
    %add3A_60 = arith.constant 448 : i32
    %add3A_61 = arith.addi %min3A_3, %add3A_60 : i32
    %dma_start3A_62 = arith.constant 0 : i32
    %dma_start3A_63 = tpu.memref_slice %arg4[%add3A_61, %dma_start3A_62] : memref<50000x128xf32, #tpu.memory_space<hbm>> -> memref<224x128xf32, #tpu.memory_space<hbm>>
    %dma_start3A_64 = arith.constant 0 : i32
    %dma_start3A_65 = tpu.memref_slice %arg4[%add3A_61, %dma_start3A_64] : memref<50000x128xf32, #tpu.memory_space<hbm>> -> memref<224x128xf32, #tpu.memory_space<hbm>>
    tpu.enqueue_dma source(%arg8 : memref<224x128xf32, #tpu.memory_space<vmem>>) target(%dma_start3A_65 : memref<224x128xf32, #tpu.memory_space<hbm>>) target_semaphore(%arg17 : memref<!tpu.dma_semaphore, #tpu.memory_space<semaphore_mem>>)
    %dma_wait3A_66 = arith.constant 0 : i32
    %dma_wait3A_67 = tpu.memref_slice %arg4[%add3A_41, %dma_wait3A_66] : memref<50000x128xf32, #tpu.memory_space<hbm>> -> memref<224x128xf32, #tpu.memory_space<hbm>>
    %dma_wait3A_68 = arith.constant 0 : i32
    %dma_wait3A_69 = tpu.memref_slice %arg4[%add3A_41, %dma_wait3A_68] : memref<50000x128xf32, #tpu.memory_space<hbm>> -> memref<224x128xf32, #tpu.memory_space<hbm>>
    tpu.wait_dma2 semaphore(%arg16 : memref<!tpu.dma_semaphore, #tpu.memory_space<semaphore_mem>>) src(%arg7 : memref<224x128xf32, #tpu.memory_space<vmem>>) dst(%dma_wait3A_69 : memref<224x128xf32, #tpu.memory_space<hbm>>)
    %dma_start3A_70 = arith.constant 1120 : i32
    %dma_start3A_71 = tpu.memref_slice %arg5[%dma_start3A_70] : memref<1568xi32, #tpu.memory_space<vmem>> -> memref<224xi32, #tpu.memory_space<vmem>>
    %dma_start3A_72 = arith.constant 0 : i32
    %dma_start3A_73 = arith.constant 0 : i32
    %dma_start3A_74 = tpu.memref_slice %arg10[%dma_start3A_72, %dma_start3A_73] : memref<128x128xf32, #tpu.memory_space<vmem_shared>> -> memref<128x128xf32, #tpu.memory_space<vmem_shared>>
    tpu.enqueue_indirect_dma source(%dma_start3A_74 : memref<128x128xf32, #tpu.memory_space<vmem_shared>>) target(%arg7 : memref<224x128xf32, #tpu.memory_space<vmem>>) offsets(%dma_start3A_71 : memref<224xi32, #tpu.memory_space<vmem>>) semaphore(%arg12 : memref<!tpu.dma_semaphore, #tpu.memory_space<semaphore_mem>>)
    %dma_wait3A_75 = arith.constant 672 : i32
    %dma_wait3A_76 = tpu.memref_slice %arg5[%dma_wait3A_75] : memref<1568xi32, #tpu.memory_space<vmem>> -> memref<224xi32, #tpu.memory_space<vmem>>
    %dma_wait3A_77 = arith.constant 0 : i32
    %dma_wait3A_78 = arith.constant 0 : i32
    %dma_wait3A_79 = tpu.memref_slice %arg10[%dma_wait3A_77, %dma_wait3A_78] : memref<128x128xf32, #tpu.memory_space<vmem_shared>> -> memref<128x128xf32, #tpu.memory_space<vmem_shared>>
    tpu.wait_indirect_dma semaphore(%arg14 : memref<!tpu.dma_semaphore, #tpu.memory_space<semaphore_mem>>) src(%dma_wait3A_79 : memref<128x128xf32, #tpu.memory_space<vmem_shared>>) dst(%arg9 : memref<224x128xf32, #tpu.memory_space<vmem>>)
    %add3A_80 = arith.constant 672 : i32
    %add3A_81 = arith.addi %min3A_3, %add3A_80 : i32
    %dma_start3A_82 = arith.constant 0 : i32
    %dma_start3A_83 = tpu.memref_slice %arg4[%add3A_81, %dma_start3A_82] : memref<50000x128xf32, #tpu.memory_space<hbm>> -> memref<224x128xf32, #tpu.memory_space<hbm>>
    %dma_start3A_84 = arith.constant 0 : i32
    %dma_start3A_85 = tpu.memref_slice %arg4[%add3A_81, %dma_start3A_84] : memref<50000x128xf32, #tpu.memory_space<hbm>> -> memref<224x128xf32, #tpu.memory_space<hbm>>
    tpu.enqueue_dma source(%arg9 : memref<224x128xf32, #tpu.memory_space<vmem>>) target(%dma_start3A_85 : memref<224x128xf32, #tpu.memory_space<hbm>>) target_semaphore(%arg18 : memref<!tpu.dma_semaphore, #tpu.memory_space<semaphore_mem>>)
    %dma_wait3A_86 = arith.constant 0 : i32
    %dma_wait3A_87 = tpu.memref_slice %arg4[%add3A_61, %dma_wait3A_86] : memref<50000x128xf32, #tpu.memory_space<hbm>> -> memref<224x128xf32, #tpu.memory_space<hbm>>
    %dma_wait3A_88 = arith.constant 0 : i32
    %dma_wait3A_89 = tpu.memref_slice %arg4[%add3A_61, %dma_wait3A_88] : memref<50000x128xf32, #tpu.memory_space<hbm>> -> memref<224x128xf32, #tpu.memory_space<hbm>>
    tpu.wait_dma2 semaphore(%arg17 : memref<!tpu.dma_semaphore, #tpu.memory_space<semaphore_mem>>) src(%arg8 : memref<224x128xf32, #tpu.memory_space<vmem>>) dst(%dma_wait3A_89 : memref<224x128xf32, #tpu.memory_space<hbm>>)
    %dma_start3A_90 = arith.constant 1344 : i32
    %dma_start3A_91 = tpu.memref_slice %arg5[%dma_start3A_90] : memref<1568xi32, #tpu.memory_space<vmem>> -> memref<224xi32, #tpu.memory_space<vmem>>
    %dma_start3A_92 = arith.constant 0 : i32
    %dma_start3A_93 = arith.constant 0 : i32
    %dma_start3A_94 = tpu.memref_slice %arg10[%dma_start3A_92, %dma_start3A_93] : memref<128x128xf32, #tpu.memory_space<vmem_shared>> -> memref<128x128xf32, #tpu.memory_space<vmem_shared>>
    tpu.enqueue_indirect_dma source(%dma_start3A_94 : memref<128x128xf32, #tpu.memory_space<vmem_shared>>) target(%arg8 : memref<224x128xf32, #tpu.memory_space<vmem>>) offsets(%dma_start3A_91 : memref<224xi32, #tpu.memory_space<vmem>>) semaphore(%arg13 : memref<!tpu.dma_semaphore, #tpu.memory_space<semaphore_mem>>)
    %dma_wait3A_95 = arith.constant 896 : i32
    %dma_wait3A_96 = tpu.memref_slice %arg5[%dma_wait3A_95] : memref<1568xi32, #tpu.memory_space<vmem>> -> memref<224xi32, #tpu.memory_space<vmem>>
    %dma_wait3A_97 = arith.constant 0 : i32
    %dma_wait3A_98 = arith.constant 0 : i32
    %dma_wait3A_99 = tpu.memref_slice %arg10[%dma_wait3A_97, %dma_wait3A_98] : memref<128x128xf32, #tpu.memory_space<vmem_shared>> -> memref<128x128xf32, #tpu.memory_space<vmem_shared>>
    tpu.wait_indirect_dma semaphore(%arg11 : memref<!tpu.dma_semaphore, #tpu.memory_space<semaphore_mem>>) src(%dma_wait3A_99 : memref<128x128xf32, #tpu.memory_space<vmem_shared>>) dst(%arg6 : memref<224x128xf32, #tpu.memory_space<vmem>>)
    %add3A_100 = arith.constant 896 : i32
    %add3A_101 = arith.addi %min3A_3, %add3A_100 : i32
    %dma_start3A_102 = arith.constant 0 : i32
    %dma_start3A_103 = tpu.memref_slice %arg4[%add3A_101, %dma_start3A_102] : memref<50000x128xf32, #tpu.memory_space<hbm>> -> memref<224x128xf32, #tpu.memory_space<hbm>>
    %dma_start3A_104 = arith.constant 0 : i32
    %dma_start3A_105 = tpu.memref_slice %arg4[%add3A_101, %dma_start3A_104] : memref<50000x128xf32, #tpu.memory_space<hbm>> -> memref<224x128xf32, #tpu.memory_space<hbm>>
    tpu.enqueue_dma source(%arg6 : memref<224x128xf32, #tpu.memory_space<vmem>>) target(%dma_start3A_105 : memref<224x128xf32, #tpu.memory_space<hbm>>) target_semaphore(%arg15 : memref<!tpu.dma_semaphore, #tpu.memory_space<semaphore_mem>>)
    %dma_wait3A_106 = arith.constant 1120 : i32
    %dma_wait3A_107 = tpu.memref_slice %arg5[%dma_wait3A_106] : memref<1568xi32, #tpu.memory_space<vmem>> -> memref<224xi32, #tpu.memory_space<vmem>>
    %dma_wait3A_108 = arith.constant 0 : i32
    %dma_wait3A_109 = arith.constant 0 : i32
    %dma_wait3A_110 = tpu.memref_slice %arg10[%dma_wait3A_108, %dma_wait3A_109] : memref<128x128xf32, #tpu.memory_space<vmem_shared>> -> memref<128x128xf32, #tpu.memory_space<vmem_shared>>
    tpu.wait_indirect_dma semaphore(%arg12 : memref<!tpu.dma_semaphore, #tpu.memory_space<semaphore_mem>>) src(%dma_wait3A_110 : memref<128x128xf32, #tpu.memory_space<vmem_shared>>) dst(%arg7 : memref<224x128xf32, #tpu.memory_space<vmem>>)
    %add3A_111 = arith.constant 1120 : i32
    %add3A_112 = arith.addi %min3A_3, %add3A_111 : i32
    %dma_start3A_113 = arith.constant 0 : i32
    %dma_start3A_114 = tpu.memref_slice %arg4[%add3A_112, %dma_start3A_113] : memref<50000x128xf32, #tpu.memory_space<hbm>> -> memref<224x128xf32, #tpu.memory_space<hbm>>
    %dma_start3A_115 = arith.constant 0 : i32
    %dma_start3A_116 = tpu.memref_slice %arg4[%add3A_112, %dma_start3A_115] : memref<50000x128xf32, #tpu.memory_space<hbm>> -> memref<224x128xf32, #tpu.memory_space<hbm>>
    tpu.enqueue_dma source(%arg7 : memref<224x128xf32, #tpu.memory_space<vmem>>) target(%dma_start3A_116 : memref<224x128xf32, #tpu.memory_space<hbm>>) target_semaphore(%arg16 : memref<!tpu.dma_semaphore, #tpu.memory_space<semaphore_mem>>)
    %dma_wait3A_117 = arith.constant 1344 : i32
    %dma_wait3A_118 = tpu.memref_slice %arg5[%dma_wait3A_117] : memref<1568xi32, #tpu.memory_space<vmem>> -> memref<224xi32, #tpu.memory_space<vmem>>
    %dma_wait3A_119 = arith.constant 0 : i32
    %dma_wait3A_120 = arith.constant 0 : i32
    %dma_wait3A_121 = tpu.memref_slice %arg10[%dma_wait3A_119, %dma_wait3A_120] : memref<128x128xf32, #tpu.memory_space<vmem_shared>> -> memref<128x128xf32, #tpu.memory_space<vmem_shared>>
    tpu.wait_indirect_dma semaphore(%arg13 : memref<!tpu.dma_semaphore, #tpu.memory_space<semaphore_mem>>) src(%dma_wait3A_121 : memref<128x128xf32, #tpu.memory_space<vmem_shared>>) dst(%arg8 : memref<224x128xf32, #tpu.memory_space<vmem>>)
    %add3A_122 = arith.constant 1344 : i32
    %add3A_123 = arith.addi %min3A_3, %add3A_122 : i32
    %dma_start3A_124 = arith.constant 0 : i32
    %dma_start3A_125 = tpu.memref_slice %arg4[%add3A_123, %dma_start3A_124] : memref<50000x128xf32, #tpu.memory_space<hbm>> -> memref<224x128xf32, #tpu.memory_space<hbm>>
    %dma_start3A_126 = arith.constant 0 : i32
    %dma_start3A_127 = tpu.memref_slice %arg4[%add3A_123, %dma_start3A_126] : memref<50000x128xf32, #tpu.memory_space<hbm>> -> memref<224x128xf32, #tpu.memory_space<hbm>>
    tpu.enqueue_dma source(%arg8 : memref<224x128xf32, #tpu.memory_space<vmem>>) target(%dma_start3A_127 : memref<224x128xf32, #tpu.memory_space<hbm>>) target_semaphore(%arg17 : memref<!tpu.dma_semaphore, #tpu.memory_space<semaphore_mem>>)
    %dma_wait3A_128 = arith.constant 0 : i32
    %dma_wait3A_129 = tpu.memref_slice %arg4[%add3A_81, %dma_wait3A_128] : memref<50000x128xf32, #tpu.memory_space<hbm>> -> memref<224x128xf32, #tpu.memory_space<hbm>>
    %dma_wait3A_130 = arith.constant 0 : i32
    %dma_wait3A_131 = tpu.memref_slice %arg4[%add3A_81, %dma_wait3A_130] : memref<50000x128xf32, #tpu.memory_space<hbm>> -> memref<224x128xf32, #tpu.memory_space<hbm>>
    tpu.wait_dma2 semaphore(%arg18 : memref<!tpu.dma_semaphore, #tpu.memory_space<semaphore_mem>>) src(%arg9 : memref<224x128xf32, #tpu.memory_space<vmem>>) dst(%dma_wait3A_131 : memref<224x128xf32, #tpu.memory_space<hbm>>)
    %dma_wait3A_132 = arith.constant 0 : i32
    %dma_wait3A_133 = tpu.memref_slice %arg4[%add3A_101, %dma_wait3A_132] : memref<50000x128xf32, #tpu.memory_space<hbm>> -> memref<224x128xf32, #tpu.memory_space<hbm>>
    %dma_wait3A_134 = arith.constant 0 : i32
    %dma_wait3A_135 = tpu.memref_slice %arg4[%add3A_101, %dma_wait3A_134] : memref<50000x128xf32, #tpu.memory_space<hbm>> -> memref<224x128xf32, #tpu.memory_space<hbm>>
    tpu.wait_dma2 semaphore(%arg15 : memref<!tpu.dma_semaphore, #tpu.memory_space<semaphore_mem>>) src(%arg6 : memref<224x128xf32, #tpu.memory_space<vmem>>) dst(%dma_wait3A_135 : memref<224x128xf32, #tpu.memory_space<hbm>>)
    %dma_wait3A_136 = arith.constant 0 : i32
    %dma_wait3A_137 = tpu.memref_slice %arg4[%add3A_112, %dma_wait3A_136] : memref<50000x128xf32, #tpu.memory_space<hbm>> -> memref<224x128xf32, #tpu.memory_space<hbm>>
    %dma_wait3A_138 = arith.constant 0 : i32
    %dma_wait3A_139 = tpu.memref_slice %arg4[%add3A_112, %dma_wait3A_138] : memref<50000x128xf32, #tpu.memory_space<hbm>> -> memref<224x128xf32, #tpu.memory_space<hbm>>
    tpu.wait_dma2 semaphore(%arg16 : memref<!tpu.dma_semaphore, #tpu.memory_space<semaphore_mem>>) src(%arg7 : memref<224x128xf32, #tpu.memory_space<vmem>>) dst(%dma_wait3A_139 : memref<224x128xf32, #tpu.memory_space<hbm>>)
    %dma_wait3A_140 = arith.constant 0 : i32
    %dma_wait3A_141 = tpu.memref_slice %arg4[%add3A_123, %dma_wait3A_140] : memref<50000x128xf32, #tpu.memory_space<hbm>> -> memref<224x128xf32, #tpu.memory_space<hbm>>
    %dma_wait3A_142 = arith.constant 0 : i32
    %dma_wait3A_143 = tpu.memref_slice %arg4[%add3A_123, %dma_wait3A_142] : memref<50000x128xf32, #tpu.memory_space<hbm>> -> memref<224x128xf32, #tpu.memory_space<hbm>>
    tpu.wait_dma2 semaphore(%arg17 : memref<!tpu.dma_semaphore, #tpu.memory_space<semaphore_mem>>) src(%arg8 : memref<224x128xf32, #tpu.memory_space<vmem>>) dst(%dma_wait3A_143 : memref<224x128xf32, #tpu.memory_space<hbm>>)
    return
  }
}

</mosaic_0001>

<sc_bundles>
// kernel: _embed.3.cloned.1.call-start
scs
__scs_entry_jumppad:
0x0: {  	(pc) =	sbr.rel $0x88, $3  }
0x1: {  	(tag) =	ssettag $0x0;
	lr =	simm.s32 $0x1  }
0x2: {  	[smem:$0x3F9F] =	sst lr;
	_ =	strace $0xD0000000  }
0x3: {  	_ = 	snop  }
0x4: {  	_ = 	snop  }
0x5: {  	_ = 	snop  }
0x6: {  	_ = 	snop  }
0x7: {  	_ = 	snop  }
__scs_overlays_trampoline_lowered:
0x8: {  	[smem:$0x3FAE] =	sst s0  }
0x9: {  	[smem:$0x3FAF] =	sst s1  }
0xa: {  	[smem:$0x3FB0] =	sst s2  }
0xb: {  	[smem:$0x3FB1] =	sst s3  }
0xc: {  	[smem:$0x3FB2] =	sst s4  }
0xd: {  	[smem:$0x3FB3] =	sst s5  }
0xe: {  	[smem:$0x3FB4] =	sst s6  }
0xf: {  	[smem:$0x3FB5] =	sst s7  }
0x10: {  	[smem:$0x3FB6] =	sst s8  }
0x11: {  	[smem:$0x3FB7] =	sst s9;
	s0 =	simm.s32 @!p0 $0x0  }
0x12: {  	s1 =	sld [smem:$0x3F9D];
	s0 =	simm.s32 @p0 $0x1  }
0x13: {  	[smem:$0x3FB8] =	sst s0;
	s0 =	simm.s32 @!p1 $0x0  }
0x14: {  	s2 =	sld [smem:$0x3F9C];
	s0 =	simm.s32 @p1 $0x1  }
0x15: {  	[smem:$0x3FB9] =	sst s0;
	s0 =	simm.s32 @!p2 $0x0  }
0x16: {  	s3 =	sld [smem:$0x3FDB];
	s0 =	simm.s32 @p2 $0x1  }
0x17: {  	s4 =	simm.s32 $0x1BF5;
	[smem:$0x3FBB] =	sst s0  }
0x18: {  	s0 =	sld [smem:$0x3F9E];
	_ =	swait.ge [sflag:s4], $0x0  }
0x19: {  	s7 =	sld [smem:$0x3F9F]  }
0x1a: {  	s8 =	sadd.s32 $0xFFFFE003, lr  }
0x1b: {  	s9 =	sadd.s32 $0xFFFFFEF7, lr;
	s5 =	simm.s32 $0xFFFFFFFF;
	p2 =	slt.u32 s8, $0xFFFFF086  }
0x1c: {  	p1 =	slt.u32 s9, $0xF7A;
	s5 =	simm.s32 @!p2 $0x0  }
0x1d: {  	s5 =	simm.s32 @p1 $0x1;
	p0 =	seq.s32 s7, s2  }
0x1e: {  	s7 =	smul.u32 @!p0 $0xF7A, s2;
	p2 =	seq.s32 @!p0 s5, $0x0  }
0x1f: {  	s9 =	smul.u32 $0xF7A, s1;
	s8 =	simm.s32 @!p0 $0x1BF5;
	p2 =	por !p2, p0  }
0x20: {  	[sflag:s8] =	ssyncset.s32 @!p0 $0xFFFFF086;
	s6 =	sadd.s32 @!p0 s3, s7;
	s7 =	simm.s32 @!p0 $0x108  }
0x21: {  	s3 =	sadd.s32 s3, s9;
	s6 =	sadd.s32 @!p0 $0x88, s6;
	s7 =	simm.s32 @p2 $0x1082  }
0x22: {  	[simem:s7], [sflag:s8] =	dma.local @!p0 [hbm:s6], $0xF7A  }
0x23: {  	s9 =	sor.u32 $0xD0000000, s2;
	s6 =	simm.s32 $0x108;
	_ =	swait.ge @!p0 [sflag:s8], $0x0  }
0x24: {  	s3 =	sadd.s32 $0x88, s3;
	s6 =	simm.s32 @!p1 $0x1082;
	[sflag:s4] =	ssyncset.s32 $0xFFFFF086  }
0x25: {  	[simem:s6], [sflag:s4] =	dma.local [hbm:s3], $0xF7A  }
0x26: {  	[smem:$0x3F9F] =	sst s1;
	(tag) =	ssettag s2;
	_ =	strace s9  }
0x27: {  	s1 =	sld [smem:$0x3FAF]  }
0x28: {  	s2 =	sld [smem:$0x3FB0]  }
0x29: {  	s4 =	sld [smem:$0x3FB2]  }
0x2a: {  	p0 =	seq.s32 s5, $0x0;
	s5 =	sld [smem:$0x3FB3]  }
0x2b: {  	s6 =	sld [smem:$0x3FB4]  }
0x2c: {  	s7 =	sld [smem:$0x3FB5]  }
0x2d: {  	s3 =	simm.s32 $0x108;
	s8 =	sld [smem:$0x3FB6]  }
0x2e: {  	s3 =	simm.s32 @!p0 $0x1082;
	s9 =	sld [smem:$0x3FB7]  }
0x2f: {  	lr =	sadd.s32 s0, s3;
	s0 =	sld [smem:$0x3FAE]  }
0x30: {  	s3 =	sld [smem:$0x3FB1]  }
0x31: {  	[smem:$0x3FBA] =	sst s10  }
0x32: {  	s10 =	sld [smem:$0x3FB8];
	_ =	sdelay $0x3  }
0x33: {  	p0 =	seq.s32 s10, $0x1;
	s10 =	sld [smem:$0x3FBA];
	_ =	sdelay $0x3  }
0x34: {  	[smem:$0x3FBA] =	sst s10  }
0x35: {  	s10 =	sld [smem:$0x3FB9];
	_ =	sdelay $0x3  }
0x36: {  	p1 =	seq.s32 s10, $0x1;
	s10 =	sld [smem:$0x3FBA];
	_ =	sdelay $0x3  }
0x37: {  	[smem:$0x3FBA] =	sst s10  }
0x38: {  	s10 =	sld [smem:$0x3FBB]  }
0x39: {  	_ = 	snop;
	(pc) =	sbr.ind lr, $3  }
0x3a: {  	_ = 	snop  }
0x3b: {  	_ = 	snop  }
0x3c: {  	p2 =	seq.s32 s10, $0x1;
	s10 =	sld [smem:$0x3FBA]  }
0x3d: {  	_ =	shalt  }
0x3e: {  	_ =	shalt  }
0x3f: {  	_ =	shalt  }
0x40: {  	_ =	shalt  }
0x41: {  	_ =	shalt  }
0x42: {  	_ =	shalt  }
0x43: {  	_ =	shalt  }
0x44: {  	_ =	shalt  }
0x45: {  	_ =	shalt  }
0x46: {  	_ =	shalt  }
0x47: {  	_ =	shalt  }
0x48: {  	_ =	shalt  }
0x49: {  	_ =	shalt  }
0x4a: {  	_ =	shalt  }
0x4b: {  	_ =	shalt  }
0x4c: {  	_ =	shalt  }
0x4d: {  	_ =	shalt  }
0x4e: {  	_ =	shalt  }
0x4f: {  	_ =	shalt  }
0x50: {  	_ =	shalt  }
0x51: {  	_ =	shalt  }
0x52: {  	_ =	shalt  }
0x53: {  	_ =	shalt  }
0x54: {  	_ =	shalt  }
0x55: {  	_ =	shalt  }
0x56: {  	_ =	shalt  }
0x57: {  	_ =	shalt  }
0x58: {  	_ =	shalt  }
0x59: {  	_ =	shalt  }
0x5a: {  	_ =	shalt  }
0x5b: {  	_ =	shalt  }
0x5c: {  	_ =	shalt  }
0x5d: {  	_ =	shalt  }
0x5e: {  	_ =	shalt  }
0x5f: {  	_ =	shalt  }
0x60: {  	_ =	shalt  }
0x61: {  	_ =	shalt  }
0x62: {  	_ =	shalt  }
0x63: {  	_ =	shalt  }
0x64: {  	_ =	shalt  }
0x65: {  	_ =	shalt  }
0x66: {  	_ =	shalt  }
0x67: {  	_ =	shalt  }
0x68: {  	_ =	shalt  }
0x69: {  	_ =	shalt  }
0x6a: {  	_ =	shalt  }
0x6b: {  	_ =	shalt  }
0x6c: {  	_ =	shalt  }
0x6d: {  	_ =	shalt  }
0x6e: {  	_ =	shalt  }
0x6f: {  	_ =	shalt  }
0x70: {  	_ =	shalt  }
0x71: {  	_ =	shalt  }
0x72: {  	_ =	shalt  }
0x73: {  	_ =	shalt  }
0x74: {  	_ =	shalt  }
0x75: {  	_ =	shalt  }
0x76: {  	_ =	shalt  }
0x77: {  	_ =	shalt  }
0x78: {  	_ =	shalt  }
0x79: {  	_ =	shalt  }
0x7a: {  	_ =	shalt  }
0x7b: {  	_ =	shalt  }
0x7c: {  	_ =	shalt  }
0x7d: {  	_ =	shalt  }
0x7e: {  	_ =	shalt  }
0x7f: {  	_ =	shalt  }
0x80: {  	_ =	shalt  }
0x81: {  	_ =	shalt  }
0x82: {  	_ =	shalt  }
0x83: {  	_ =	shalt  }
0x84: {  	_ =	shalt  }
0x85: {  	_ =	shalt  }
0x86: {  	_ =	shalt  }
0x87: {  	_ =	shalt  }
.Lfunc_end0:
.L_simem_size_0:
called_computation_lowered:
.L_overlay_start_0:
0x88: {  	s2 =	sld [smem:$0x3FD9]  }
0x89: {  	s3 =	sld [smem:$0x3FFE];
	_ =	sdelay $0x1  }
0x8a: {  	s1 =	srdreg.scid  }
0x8b: {  	s0 =	sand.u32 $0x1, s1  }
0x8c: {  	s18 =	sshll.u32 s0, $0xA;
	s2 =	sadd.s32 s3, s2  }
0x8d: {  	s2 =	sadd.s32 s2, s18  }
0x8e: {  	[smem:$0x3FC6] =	sst s2  }
0x8f: {  	_ = 	snop  }
0x90: {  	s2 =	sld [smem:$0x3FC9]  }
0x91: {  	s19 =	sld [smem:$0x3FC8]  }
0x92: {  	s4 =	sld [smem:$0x3FD0];
	(tm) =	ssettm $0x1  }
0x93: {  	s5 =	sld [smem:$0x3FFB];
	_ =	sdelay $0x3  }
0x94: {  	_ =	strace s5  }
0x95: {  	s5 =	sld [smem:$0x3FFC];
	_ =	sdelay $0x3  }
0x96: {  	_ =	strace s5  }
0x97: {  	s5 =	sld [smem:$0x3FFD];
	_ =	sdelay $0x3  }
0x98: {  	_ =	strace s5  }
0x99: {  	_ =	strace $0x8FFFFFFF  }
0x9a: {  	s20 =	sld [smem:$0x3FDB];
	_ =	sdelay $0x1  }
0x9b: {  	s6 =	simm.s32 $_scs_section_size  }
0x9c: {  	s7 =	simm.s32 $_size__tile_overlayer_lowered;
	s8 =	simm.s32 $_tile_overlayer_lowered  }
0x9d: {  	s23 =	simm.s32 $0x1BFF;
	s22 =	sshll.u32 s8, $0x1;
	s5 =	sadd.s32 s6, s20  }
0x9e: {  	s9 =	simm.s32 $0x0;
	s21 =	sshll.u32 s7, $0x1;
	s7 =	sadd.s32 s22, s5  }
0x9f: {  	[timem:s9], [sflag:s23] =	dma.local [hbm:s7], s21  }
0xa0: {  	_ =	swait.ge [sflag:s23], s21  }
0xa1: {  	s6 =	ssub.s32 $0x0, s21;
	[sflag:s23] =	ssyncset.done $0x0  }
0xa2: {  	[sflag:s23] =	ssyncadd.s32 s6;
	_ =	sdelay $0x1  }
0xa3: {  	s24 =	simm.s32 $0x1B8B  }
0xa4: {  	_ =	swait.ge [sflag:s24], $0x1  }
0xa5: {  	[sflag:s24] =	ssyncset.done $0x0  }
0xa6: {  	s25 =	simm.s32 $0x1B8E;
	[sflag:s24] =	ssyncadd.s32 $0xFFFFFFFF  }
0xa7: {  	s26 =	simm.s32 $execute0_lowered;
	[smem:$0x3FD2] =	sst s25  }
0xa8: {  	s6 =	sshll.u32 s26, $0x1;
	_ =	strace $0x80000046;
	[dreg:$0x1] =	wrdreg $0xFFFFFFFF  }
0xa9: {  	s28 =	simm.s32 $_size_execute0_lowered;
	s5 =	sadd.s32 s5, s6;
	[dreg:$0x0] =	wrdreg $0x0  }
0xaa: {  	s6 =	sshll.u32 s28, $0x1;
	[dreg:$0x2] =	wrdreg s5  }
0xab: {  	[dreg:$0x3] =	wrdreg s6  }
0xac: {  	[dreg:$0x4] =	wrdreg $0xC0  }
0xad: {  	_ =	task [dreg:s9], $0x5FFFF  }
0xae: {  	[dreg:$0x1] =	wrdreg $0xFFFFFFFF  }
0xaf: {  	[dreg:$0x0] =	wrdreg $0x60  }
0xb0: {  	[dreg:$0x2] =	wrdreg s2  }
0xb1: {  	[dreg:$0x3] =	wrdreg s19  }
0xb2: {  	[dreg:$0x4] =	wrdreg s4  }
0xb3: {  	[dreg:$0x5] =	wrdreg $0x1C6800  }
0xb4: {  	[dreg:$0x6] =	wrdreg $0x9  }
0xb5: {  	_ =	task.clear_ibuf [dreg:s9], $0x7FFFF;
	_ =	strace $0x90000046  }
0xb6: {  	s29 =	simm.s32 $0x9;
	_ =	strace $0x80000048  }
0xb7: {  	_ =	swait.ge [sflag:s29], $0x1  }
0xb8: {  	[sflag:s29] =	ssyncadd.s32 $0xFFFFFFFF  }
0xb9: {  	_ =	strace $0x90000048  }
0xba: {  	_ =	sfence  }
0xbb: {  	s30 =	sld [smem:$0x0];
	_ =	sdelay $0x2  }
0xbc: {  	s31 =	sshll.u32 s1, $0xD;
	s1 =	sshrl.u32 s1, $0x2  }
0xbd: {  	s3 =	sand.u32 $0x4000, s31;
	s1 =	sadd.s32 s1, s30  }
0xbe: {  	s0 =	sor.u32 s3, s0;
	s1 =	sshll.u32 s1, $0x11  }
0xbf: {  	s0 =	sor.u32 s1, s0  }
0xc0: {  	s0 =	sadd.s32 $0x8F2B, s0  }
0xc1: {  	[sflag:s0] =	ssyncadd.remote.s32 $0x1  }
0xc2: {  	_ =	sfence.sel $0xFFFF  }
0xc3: {  	[dreg:$0x0] =	wrdreg $0xFFFFFFFF;
	(pc) =	sbr.abs _section_cstart, $3  }
0xc4: {  	[dreg:$0x1] =	wrdreg $0xFFFFFFFF  }
0xc5: {  	_ =	task.clear_ibuf [dreg:s9], $0x2FFFF;
	_ =	strace $0x9FFFFFFF  }
0xc6: {  	(tm) =	ssettm $0x7FFFFFFF  }
0xc7: {  	_ =	shalt  }
tec
execute0_lowered:
.L_overlay_start_1:
0x0: {  	(tag) =	ssettag $0x1  }
0x1: {  	s4 =	rddreg [dreg:$0x0]  }
0x2: {  	s5 =	rddreg [dreg:$0x1]  }
0x3: {  	s12 =	rddreg [dreg:$0x2]  }
0x4: {  	s2 =	rddreg [dreg:$0x3]  }
0x5: {  	s0 =	srdreg.scid;
	s1 =	stileid.u32  }
0x6: {  	s3 =	simm.s32 $0x0;
	s0 =	sand.u32 $0x1, s0;
	s6 =	sshll.u32 s1, $0x1  }
0x7: {  	[smem:$0x7FF] =	sst s3;
	s7 =	sshll.u32 s1, $0x7;
	s6 =	sor.u32 s0, s6  }
0x8: {  	s20 =	sshll.u32 s1, $0x6;
	s4 =	sadd.s32 s4, s7;
	s6 =	smul.u32 $0x620, s6  }
0x9: {  	_ =	strace $0x80000047;
	s21 =	sor.u32 $0x1C09, s20;
	[dreg:$0x5] =	wrdreg s4  }
0xa: {  	[dreg:$0x6] =	wrdreg s21;
	s13 =	smin.u32 s6, $0xBD30  }
0xb: {  	s23 =	sshll.u32 s1, $0xA;
	s22 =	rddreg [dreg:$0x5];
	s24 =	sshrl.u32 s13, $0x3  }
0xc: {  	s4 =	sadd.s32 s23, s2;
	s8 =	rddreg [dreg:$0x6];
	s5 =	sadd.s32 s5, s24  }
0xd: {  	s4 =	sshrl.u32 s4, $0x3;
	[dreg:$0x7] =	wrdreg s5;
	s5 =	simm.s32 $0x9  }
0xe: {  	[spmem:s4], [sflag:s8] =	dma.local [hbm:s22], $0x80  }
0xf: {  	_ =	swait.ge [sflag:s5], $0x80  }
0x10: {  	[sflag:s5] =	ssyncset.done $0x0  }
0x11: {  	s25 =	rddreg [dreg:$0x7];
	[sflag:s5] =	ssyncadd.s32 $0xFFFFFF80  }
0x12: {  	[tilespmem:s3], [sflag:$0x9] =	stream.linear.gather [hbm4b:s25+s3], $0x620, $0x38;
	[tilespmem:$0x1CA80] =	vst v63  }
0x13: {  	_ =	swait.ge [sflag:s5], $0x620  }
0x14: {  	[sflag:s5] =	ssyncset.done $0x0  }
0x15: {  	[sflag:s5] =	ssyncadd.s32 $0xFFFFF9E0  }
0x16: {  	s7 =	simm.s32 $0x680;
	s6 =	simm.s32 $0xE0;
	[bflag:$0x0] =	sbarrier.arrive $0xFFFF  }
0x17: {  	[tilespmem:s7], [sflag:$0x1] =	stream.indirect.gather [spmem:s2], $0x80, s3, s6, $0xb8;
	[tilespmem:$0x1CA80] =	vst v63  }
0x18: {  	s8 =	simm.s32 $0x7680  }
0x19: {  	[tilespmem:s8], [sflag:$0x2] =	stream.indirect.gather [spmem:s2], $0x80, s6, s6, $0xb8;
	[tilespmem:$0x1CA80] =	vst v63  }
0x1a: {  	s26 =	simm.s32 $0x1C0;
	s10 =	simm.s32 $0xE680;
	s11 =	simm.s32 $0x1  }
0x1b: {  	[tilespmem:s10], [sflag:$0x3] =	stream.indirect.gather [spmem:s2], $0x80, s26, s6, $0xb8;
	[tilespmem:$0x1CA80] =	vst v63  }
0x1c: {  	_ =	swait.ge [sflag:s11], $0x7000  }
0x1d: {  	s13 =	sshll.u32 s13, $0x4;
	[sflag:s11] =	ssyncset.done $0x0  }
0x1e: {  	s12 =	sadd.s32 s12, s13;
	[sflag:s11] =	ssyncadd.s32 $0xFFFF9000  }
0x1f: {  	[hbm4b:s12+s3] =	stream.linear.scatter [tilespmem:s7], [sflag:$0x5], $0x7000, $0x38;
	[tilespmem:$0x1CA80] =	vst v63  }
0x20: {  	s14 =	simm.s32 $0x15680;
	s15 =	simm.s32 $0x2;
	s13 =	simm.s32 $0x2A0  }
0x21: {  	[tilespmem:s14], [sflag:$0x4] =	stream.indirect.gather [spmem:s2], $0x80, s13, s6, $0xb8;
	[tilespmem:$0x1CA80] =	vst v63  }
0x22: {  	_ =	swait.ge [sflag:s15], $0x7000  }
0x23: {  	[sflag:s15] =	ssyncset.done $0x0  }
0x24: {  	s17 =	simm.s32 $0x5;
	s16 =	sadd.s32 $0xE00, s12;
	[sflag:s15] =	ssyncadd.s32 $0xFFFF9000  }
0x25: {  	[hbm4b:s16+s3] =	stream.linear.scatter [tilespmem:s8], [sflag:$0x6], $0x7000, $0x38;
	[tilespmem:$0x1CA80] =	vst v63  }
0x26: {  	_ =	swait.ge [sflag:s17], $0x7000  }
0x27: {  	[sflag:s17] =	ssyncset.done $0x0  }
0x28: {  	s18 =	simm.s32 $0x380;
	s19 =	simm.s32 $0x3;
	[sflag:s17] =	ssyncadd.s32 $0xFFFF9000  }
0x29: {  	[tilespmem:s7], [sflag:$0x1] =	stream.indirect.gather [spmem:s2], $0x80, s18, s6, $0xb8;
	[tilespmem:$0x1CA80] =	vst v63  }
0x2a: {  	_ =	swait.ge [sflag:s19], $0x7000  }
0x2b: {  	[sflag:s19] =	ssyncset.done $0x0  }
0x2c: {  	s21 =	simm.s32 $0x6;
	s20 =	sadd.s32 $0x1C00, s12;
	[sflag:s19] =	ssyncadd.s32 $0xFFFF9000  }
0x2d: {  	[hbm4b:s20+s3] =	stream.linear.scatter [tilespmem:s10], [sflag:$0x7], $0x7000, $0x38;
	[tilespmem:$0x1CA80] =	vst v63  }
0x2e: {  	_ =	swait.ge [sflag:s21], $0x7000  }
0x2f: {  	[sflag:s21] =	ssyncset.done $0x0  }
0x30: {  	s23 =	simm.s32 $0x4;
	s22 =	simm.s32 $0x460;
	[sflag:s21] =	ssyncadd.s32 $0xFFFF9000  }
0x31: {  	[tilespmem:s8], [sflag:$0x2] =	stream.indirect.gather [spmem:s2], $0x80, s22, s6, $0xb8;
	[tilespmem:$0x1CA80] =	vst v63  }
0x32: {  	_ =	swait.ge [sflag:s23], $0x7000  }
0x33: {  	[sflag:s23] =	ssyncset.done $0x0  }
0x34: {  	s24 =	sadd.s32 $0x2A00, s12;
	s25 =	simm.s32 $0x7;
	[sflag:s23] =	ssyncadd.s32 $0xFFFF9000  }
0x35: {  	[hbm4b:s24+s3] =	stream.linear.scatter [tilespmem:s14], [sflag:$0x8], $0x7000, $0x38;
	[tilespmem:$0x1CA80] =	vst v63  }
0x36: {  	_ =	swait.ge [sflag:s25], $0x7000  }
0x37: {  	[sflag:s25] =	ssyncset.done $0x0  }
0x38: {  	s26 =	simm.s32 $0x540;
	[sflag:s25] =	ssyncadd.s32 $0xFFFF9000  }
0x39: {  	[tilespmem:s10], [sflag:$0x3] =	stream.indirect.gather [spmem:s2], $0x80, s26, s6, $0xb8;
	[tilespmem:$0x1CA80] =	vst v63  }
0x3a: {  	_ =	swait.ge [sflag:s11], $0x7000  }
0x3b: {  	[sflag:s11] =	ssyncset.done $0x0  }
0x3c: {  	s28 =	sadd.s32 $0x3800, s12;
	[sflag:s11] =	ssyncadd.s32 $0xFFFF9000  }
0x3d: {  	[hbm4b:s28+s3] =	stream.linear.scatter [tilespmem:s7], [sflag:$0x5], $0x7000, $0x38;
	[tilespmem:$0x1CA80] =	vst v63  }
0x3e: {  	_ =	swait.ge [sflag:s15], $0x7000  }
0x3f: {  	[sflag:s15] =	ssyncset.done $0x0  }
0x40: {  	s29 =	sadd.s32 $0x4600, s12;
	[sflag:s15] =	ssyncadd.s32 $0xFFFF9000  }
0x41: {  	[hbm4b:s29+s3] =	stream.linear.scatter [tilespmem:s8], [sflag:$0x6], $0x7000, $0x38;
	[tilespmem:$0x1CA80] =	vst v63  }
0x42: {  	_ =	swait.ge [sflag:s19], $0x7000  }
0x43: {  	[sflag:s19] =	ssyncset.done $0x0  }
0x44: {  	s31 =	simm.s32 $0x8;
	s30 =	sadd.s32 $0x5400, s12;
	[sflag:s19] =	ssyncadd.s32 $0xFFFF9000  }
0x45: {  	[hbm4b:s30+s3] =	stream.linear.scatter [tilespmem:s10], [sflag:$0x7], $0x7000, $0x38;
	[tilespmem:$0x1CA80] =	vst v63  }
0x46: {  	s0 =	ssub.s32 $0x2, s0;
	_ =	swait.ge [sflag:s31], $0x7000  }
0x47: {  	s9 =	sshrl.u32 s0, $0x1;
	[sflag:s31] =	ssyncset.done $0x0  }
0x48: {  	s0 =	ssub.s32 s0, s9;
	[sflag:s31] =	ssyncadd.s32 $0xFFFF9000  }
0x49: {  	s0 =	smax.u32 s0, $0x1;
	_ =	swait.ge [sflag:s17], $0x7000  }
0x4a: {  	p0 =	sne.s32 s0, $0x1;
	[sflag:s17] =	ssyncset.done $0x0  }
.Ltmp0:
0x4b: {  	[sflag:s17] =	ssyncadd.s32 $0xFFFF9000;
	(pc) =	sbr.rel @!p0 .LBB2_2-.Ltmp0, $4  }
0x4c: {  	_ =	swait.ge [sflag:s21], $0x7000  }
0x4d: {  	[sflag:s21] =	ssyncset.done $0x0  }
0x4e: {  	[sflag:s21] =	ssyncadd.s32 $0xFFFF9000  }
0x4f: {  	s0 =	sadd.s32 $0xFFFFFFFF, s0;
	_ =	swait.ge [sflag:s25], $0x7000  }
.LBB2_1:
0x50: {  	s1 =	rddreg [dreg:$0x5];
	[sflag:s25] =	ssyncset.done $0x0  }
0x51: {  	s9 =	rddreg [dreg:$0x6];
	[sflag:s25] =	ssyncadd.s32 $0xFFFF9000  }
0x52: {  	[spmem:s4], [sflag:s9] =	dma.local [hbm:s1], $0x80  }
0x53: {  	_ =	swait.ge [sflag:s5], $0x80  }
0x54: {  	[sflag:s5] =	ssyncset.done $0x0  }
0x55: {  	s9 =	rddreg [dreg:$0x7];
	[sflag:s5] =	ssyncadd.s32 $0xFFFFFF80  }
0x56: {  	[tilespmem:s3], [sflag:$0x9] =	stream.linear.gather [hbm4b:s9+s3], $0x620, $0x38;
	[tilespmem:$0x1CA80] =	vst v63  }
0x57: {  	_ =	swait.ge [sflag:s5], $0x620  }
0x58: {  	[sflag:s5] =	ssyncset.done $0x0  }
0x59: {  	[sflag:s5] =	ssyncadd.s32 $0xFFFFF9E0  }
0x5a: {  	[bflag:$0x0] =	sbarrier.arrive $0xFFFF  }
0x5b: {  	[tilespmem:s7], [sflag:$0x1] =	stream.indirect.gather [spmem:s2], $0x80, s3, s6, $0xb8;
	[tilespmem:$0x1CA80] =	vst v63  }
0x5c: {  	_ = 	snop  }
0x5d: {  	[tilespmem:s8], [sflag:$0x2] =	stream.indirect.gather [spmem:s2], $0x80, s6, s6, $0xb8;
	[tilespmem:$0x1CA80] =	vst v63  }
0x5e: {  	s9 =	simm.s32 $0x1C0  }
0x5f: {  	[tilespmem:s10], [sflag:$0x3] =	stream.indirect.gather [spmem:s2], $0x80, s9, s6, $0xb8;
	[tilespmem:$0x1CA80] =	vst v63  }
0x60: {  	_ =	swait.ge [sflag:s11], $0x7000  }
0x61: {  	[sflag:s11] =	ssyncset.done $0x0  }
0x62: {  	[sflag:s11] =	ssyncadd.s32 $0xFFFF9000  }
0x63: {  	[hbm4b:s12+s3] =	stream.linear.scatter [tilespmem:s7], [sflag:$0x5], $0x7000, $0x38;
	[tilespmem:$0x1CA80] =	vst v63  }
0x64: {  	_ = 	snop  }
0x65: {  	[tilespmem:s14], [sflag:$0x4] =	stream.indirect.gather [spmem:s2], $0x80, s13, s6, $0xb8;
	[tilespmem:$0x1CA80] =	vst v63  }
0x66: {  	_ =	swait.ge [sflag:s15], $0x7000  }
0x67: {  	[sflag:s15] =	ssyncset.done $0x0  }
0x68: {  	[sflag:s15] =	ssyncadd.s32 $0xFFFF9000  }
0x69: {  	[hbm4b:s16+s3] =	stream.linear.scatter [tilespmem:s8], [sflag:$0x6], $0x7000, $0x38;
	[tilespmem:$0x1CA80] =	vst v63  }
0x6a: {  	_ =	swait.ge [sflag:s17], $0x7000  }
0x6b: {  	[sflag:s17] =	ssyncset.done $0x0  }
0x6c: {  	[sflag:s17] =	ssyncadd.s32 $0xFFFF9000  }
0x6d: {  	[tilespmem:s7], [sflag:$0x1] =	stream.indirect.gather [spmem:s2], $0x80, s18, s6, $0xb8;
	[tilespmem:$0x1CA80] =	vst v63  }
0x6e: {  	_ =	swait.ge [sflag:s19], $0x7000  }
0x6f: {  	[sflag:s19] =	ssyncset.done $0x0  }
0x70: {  	[sflag:s19] =	ssyncadd.s32 $0xFFFF9000  }
0x71: {  	[hbm4b:s20+s3] =	stream.linear.scatter [tilespmem:s10], [sflag:$0x7], $0x7000, $0x38;
	[tilespmem:$0x1CA80] =	vst v63  }
0x72: {  	_ =	swait.ge [sflag:s21], $0x7000  }
0x73: {  	[sflag:s21] =	ssyncset.done $0x0  }
0x74: {  	[sflag:s21] =	ssyncadd.s32 $0xFFFF9000  }
0x75: {  	[tilespmem:s8], [sflag:$0x2] =	stream.indirect.gather [spmem:s2], $0x80, s22, s6, $0xb8;
	[tilespmem:$0x1CA80] =	vst v63  }
0x76: {  	_ =	swait.ge [sflag:s23], $0x7000  }
0x77: {  	[sflag:s23] =	ssyncset.done $0x0  }
0x78: {  	[sflag:s23] =	ssyncadd.s32 $0xFFFF9000  }
0x79: {  	[hbm4b:s24+s3] =	stream.linear.scatter [tilespmem:s14], [sflag:$0x8], $0x7000, $0x38;
	[tilespmem:$0x1CA80] =	vst v63  }
0x7a: {  	_ =	swait.ge [sflag:s25], $0x7000  }
0x7b: {  	[sflag:s25] =	ssyncset.done $0x0  }
0x7c: {  	[sflag:s25] =	ssyncadd.s32 $0xFFFF9000  }
0x7d: {  	[tilespmem:s10], [sflag:$0x3] =	stream.indirect.gather [spmem:s2], $0x80, s26, s6, $0xb8;
	[tilespmem:$0x1CA80] =	vst v63  }
0x7e: {  	_ =	swait.ge [sflag:s11], $0x7000  }
0x7f: {  	[sflag:s11] =	ssyncset.done $0x0  }
0x80: {  	[sflag:s11] =	ssyncadd.s32 $0xFFFF9000  }
0x81: {  	[hbm4b:s28+s3] =	stream.linear.scatter [tilespmem:s7], [sflag:$0x5], $0x7000, $0x38;
	[tilespmem:$0x1CA80] =	vst v63  }
0x82: {  	_ =	swait.ge [sflag:s15], $0x7000  }
0x83: {  	[sflag:s15] =	ssyncset.done $0x0  }
0x84: {  	[sflag:s15] =	ssyncadd.s32 $0xFFFF9000  }
0x85: {  	[hbm4b:s29+s3] =	stream.linear.scatter [tilespmem:s8], [sflag:$0x6], $0x7000, $0x38;
	[tilespmem:$0x1CA80] =	vst v63  }
0x86: {  	_ =	swait.ge [sflag:s19], $0x7000  }
0x87: {  	[sflag:s19] =	ssyncset.done $0x0  }
0x88: {  	[sflag:s19] =	ssyncadd.s32 $0xFFFF9000  }
0x89: {  	[hbm4b:s30+s3] =	stream.linear.scatter [tilespmem:s10], [sflag:$0x7], $0x7000, $0x38;
	[tilespmem:$0x1CA80] =	vst v63  }
0x8a: {  	_ =	swait.ge [sflag:s31], $0x7000  }
0x8b: {  	[sflag:s31] =	ssyncset.done $0x0  }
0x8c: {  	[sflag:s31] =	ssyncadd.s32 $0xFFFF9000  }
0x8d: {  	_ =	swait.ge [sflag:s17], $0x7000  }
0x8e: {  	p0 =	sne.s32 s0, $0x1;
	[sflag:s17] =	ssyncset.done $0x0  }
.Ltmp1:
0x8f: {  	[sflag:s17] =	ssyncadd.s32 $0xFFFF9000;
	(pc) =	sbr.rel @p0 .LBB2_1-.Ltmp1, $4  }
0x90: {  	_ =	swait.ge [sflag:s21], $0x7000  }
0x91: {  	[sflag:s21] =	ssyncset.done $0x0  }
0x92: {  	[sflag:s21] =	ssyncadd.s32 $0xFFFF9000  }
0x93: {  	s0 =	sadd.s32 $0xFFFFFFFF, s0;
	_ =	swait.ge [sflag:s25], $0x7000  }
.LBB2_2:
0x94: {  	[sflag:s25] =	ssyncset.done $0x0  }
0x95: {  	[sflag:s25] =	ssyncadd.s32 $0xFFFF9000  }
0x96: {  	_ =	sfence.sel $0x180000  }
0x97: {  	[bflag:$0x0] =	sbarrier.arrive $0xFFFF  }
0x98: {  	_ =	strace $0x90000047  }
0x99: {  	s0 =	stileid.u32;
	[bflag:$0x2] =	sbarrier.arrive $0xFFFF  }
0x9a: {  	p0 =	sne.s32 s0, $0x0;
	s0 =	rddreg [dreg:$0x4]  }
0x9b: {  	s0 =	sadd.s32 @!p0 $0x100000, s0  }
0x9c: {  	[sflag:s0] =	ssyncadd.tile.s32 @!p0 $0x1;
	_ =	shalt  }
.Lfunc_end2:
_tile_overlayer_lowered:
.L_overlay_start_2:
0x9d: {  	(tag) =	ssettag $0x2  }
0x9e: {  	s0 =	rddreg [dreg:$0x0];
	s2 =	stileid.u32  }
0x9f: {  	s1 =	rddreg [dreg:$0x1];
	p0 =	sne.s32 s2, $0x0  }
0xa0: {  	s3 =	rddreg [dreg:$0x2];
	[bflag:$0x3] =	sbarrier.arrive $0xFFFF;
	s2 =	simm.s32 @!p0 $0x1C09  }
0xa1: {  	[timem:s3], [sflag:s2] =	dma.local @!p0 [hbm:s0], s1  }
0xa2: {  	s0 =	simm.s32 @!p0 $0x9  }
0xa3: {  	_ =	swait.ge @!p0 [sflag:s0], s1  }
0xa4: {  	s1 =	ssub.s32 @!p0 $0x0, s1;
	[sflag:s0] =	ssyncset.done @!p0 $0x0  }
0xa5: {  	[sflag:s0] =	ssyncadd.s32 @!p0 s1  }
0xa6: {  	[bflag:$0x3] =	sbarrier.arrive $0xFFFF  }
0xa7: {  	_ =	shalt  }

</sc_bundles>
